<compile_context>
chip_gen: v7x
topology: tpu7x:2x2x1
jax: 0.10.2.dev20260603
libtpu: 0.0.44.dev20260713+nightly
codegen_flags: <defaults>
</compile_context>

<pallas_src>
import functools
import jax
import jax.numpy as jnp
from jax import lax
from jax.experimental import pallas as pl
from jax.experimental.pallas import tpu as pltpu
from jax.experimental.pallas import tpu_sc as plsc

QB = 256
KB = 256

_MASKED = -1e30
_MINIT = -1e29


def _ranges_on_sc(docs):
    n = docs.shape[0]
    nq = n // QB
    info = plsc.get_sparse_core_info()
    nc = info.num_cores

    mesh = plsc.VectorSubcoreMesh(core_axis_name="c", subcore_axis_name="s")

    @functools.partial(
        pl.kernel, mesh=mesh,
        out_type=jax.ShapeDtypeStruct((nq, 16), jnp.int32),
        scratch_types=[
            pltpu.VMEM((n,), jnp.int32),
            pltpu.VMEM((16,), jnp.int32),
        ],
    )
    def ranges_kernel(docs_hbm, out_hbm, docs_v, row_v):
        wid = lax.axis_index("s") * nc + lax.axis_index("c")

        dnums = lax.GatherDimensionNumbers(
            offset_dims=(), collapsed_slice_dims=(0,), start_index_map=(0,))

        def _perm(vec, idx):
            return lax.gather(vec, idx.reshape(16, 1), dnums, slice_sizes=(1,),
                              mode=lax.GatherScatterMode.PROMISE_IN_BOUNDS)

        def _splat_lane(vec, lane):
            return _perm(vec, jnp.full((16,), lane, jnp.int32))

        def _lanesum(vec):
            lanes = lax.iota(jnp.int32, 16)
            for shift in (8, 4, 2, 1):
                vec = vec + _perm(vec, (lanes + shift) % 16)
            return vec

        @pl.when(wid < nq)
        def _():
            pltpu.sync_copy(docs_hbm, docs_v)
            first = docs_v[pl.ds(wid * QB, 16)]
            last = docs_v[pl.ds(wid * QB + QB - 16, 16)]
            qmin = _splat_lane(first, 0)
            qmax = _splat_lane(last, 15)
            zero = jnp.zeros((16,), jnp.int32)
            one = jnp.ones((16,), jnp.int32)

            def body(j, carry):
                lo_acc, hi_acc = carry
                c = docs_v[pl.ds(j * 16, 16)]
                lo_acc = lo_acc + jnp.where(c < qmin, one, zero)
                hi_acc = hi_acc + jnp.where(c <= qmax, one, zero)
                return lo_acc, hi_acc

            lo_acc, hi_acc = lax.fori_loop(0, n // 16, body, (zero, zero))
            lane = lax.iota(jnp.int32, 16)
            row_v[...] = jnp.where(lane == 0, _lanesum(lo_acc), _lanesum(hi_acc))
            pltpu.sync_copy(row_v, out_hbm.at[wid])

    return ranges_kernel(docs)


def _flash_kernel(ranges_ref, docs_col_ref, docs_row_ref, q_ref, k_ref, v_ref, o_ref):
    d = q_ref.shape[-1]
    i = pl.program_id(1)
    kb_lo = ranges_ref[2 * i] // KB
    kb_hi = (ranges_ref[2 * i + 1] + KB - 1) // KB
    q = q_ref[0]
    docs_q = docs_col_ref[:, 0:1]

    scale = 1.0 / (d ** 0.5)

    def body(kb, carry):
        m, l, acc = carry
        off = kb * KB
        k = k_ref[0, pl.ds(off, KB), :]
        v = v_ref[0, pl.ds(off, KB), :]
        docs_k = docs_row_ref[0:1, pl.ds(off, KB)]
        s = jax.lax.dot_general(q, k, (((1,), (1,)), ((), ())),
                                preferred_element_type=jnp.float32) * scale
        s = jnp.where(docs_q == docs_k, s, _MASKED)
        m_new = jnp.maximum(m, jnp.max(s, axis=1, keepdims=True))
        p = jnp.exp(s - m_new)
        alpha = jnp.exp(m - m_new)
        l_new = l * alpha + jnp.sum(p, axis=1, keepdims=True)
        acc_new = acc * alpha + jax.lax.dot_general(
            p.astype(jnp.bfloat16), v, (((1,), (0,)), ((), ())),
            preferred_element_type=jnp.float32)
        return m_new, l_new, acc_new

    m0 = jnp.full((QB, 1), _MINIT, jnp.float32)
    l0 = jnp.zeros((QB, 1), jnp.float32)
    acc0 = jnp.zeros((QB, d), jnp.float32)
    m, l, acc = jax.lax.fori_loop(kb_lo, kb_hi, body, (m0, l0, acc0))
    o_ref[0] = acc / l


def kernel(Q, K, V, document_id):
    b, h, n, d = Q.shape
    docs = document_id.astype(jnp.int32)
    Qr = Q.reshape(b * h, n, d).astype(jnp.bfloat16)
    Kr = K.reshape(b * h, n, d).astype(jnp.bfloat16)
    Vr = V.reshape(b * h, n, d).astype(jnp.bfloat16)
    docs_col = jnp.broadcast_to(docs[:, None], (n, 8))
    docs_row = jnp.broadcast_to(docs[None, :], (8, n))

    nq = n // QB
    ranges = _ranges_on_sc(docs)[:, :2].reshape(-1)

    grid_spec = pltpu.PrefetchScalarGridSpec(
        num_scalar_prefetch=1,
        grid=(b * h, nq),
        in_specs=[
            pl.BlockSpec((QB, 8), lambda hh, i, r: (i, 0)),
            pl.BlockSpec((8, n), lambda hh, i, r: (0, 0)),
            pl.BlockSpec((1, QB, d), lambda hh, i, r: (hh, i, 0)),
            pl.BlockSpec((1, n, d), lambda hh, i, r: (hh, 0, 0)),
            pl.BlockSpec((1, n, d), lambda hh, i, r: (hh, 0, 0)),
        ],
        out_specs=pl.BlockSpec((1, QB, d), lambda hh, i, r: (hh, i, 0)),
    )
    out = pl.pallas_call(
        _flash_kernel,
        grid_spec=grid_spec,
        out_shape=jax.ShapeDtypeStruct((b * h, n, d), jnp.float32),
    )(ranges, docs_col, docs_row, Qr, Kr, Vr)
    return out.reshape(b, h, n, d)

# --- scband reference (transcript-rebuilt; emitter-appended) ---
"""Pipeline reference for scband-document-mask-attention-3066606650064 (READ-ONLY COPY).

The authoritative reference and input builder live on the scoring server;
editing this copy changes nothing except your own understanding.
"""

import jax, jax.numpy as jnp
import numpy as np

B, H, N, D = 1, 16, 2048, 128
NUM_DOCS = 8

def setup_inputs(seed: int = 0) -> dict:
    key = jax.random.key(seed)
    kq, kk, kv, kd = jax.random.split(key, 4)
    Q = jax.random.normal(kq, (B, H, N, D), dtype=jnp.float32)
    K = jax.random.normal(kk, (B, H, N, D), dtype=jnp.float32)
    V = jax.random.normal(kv, (B, H, N, D), dtype=jnp.float32)
    document_id = jnp.sort(jax.random.randint(kd, (N,), 0, NUM_DOCS)).astype(jnp.int64)
    return {"Q": Q, "K": K, "V": V, "document_id": document_id}

def reference(Q, K, V, document_id):
    # Faithful translation of flex_attention with a document mask_mod:
    # attention where document_id[q_idx] == document_id[kv_idx], default scale 1/sqrt(D)
    b, h, n, d = Q.shape
    scale = 1.0 / jnp.sqrt(jnp.asarray(d, dtype=Q.dtype))
    scores = jnp.einsum('bhqd,bhkd->bhqk', Q, K) * scale
    mask = (document_id[:, None] == document_id[None, :])  # [N, N]
    scores = jnp.where(mask[None, None, :, :], scores, jnp.asarray(-jnp.inf, dtype=scores.dtype))
    attn = jax.nn.softmax(scores, axis=-1)
    out = jnp.einsum('bhqk,bhkd->bhqd', attn, V)
    return out

if __name__ == "__main__":
    import jax
    _d = setup_inputs()
    print(jax.jit(kernel)(*tuple(_d.values())))

</pallas_src>

<mosaic_0001>
#map = affine_map<(d0, d1) -> (0)>
#map1 = affine_map<(d0, d1) -> (0, 0)>
module attributes {stable_mosaic.version = 14 : i64} {
  func.func @ranges_kernel(%arg0: i32, %arg1: i32, %arg2: memref<2048xi32, #tpu.memory_space<hbm>>, %arg3: memref<8x16xi32, #tpu.memory_space<hbm>>, %arg4: memref<2048xi32, #tpu.memory_space<vmem>>, %arg5: memref<16xi32, #tpu.memory_space<vmem>>) attributes {dimension_semantics = [#tpu.dimension_semantics<core_parallel>, #tpu.dimension_semantics<subcore_parallel>], iteration_bounds = array<i64: 2, 16>, scalar_prefetch = 0 : i64, scratch_operands = 2 : i64, tpu.core_type = #tpu.core_type<sc_vector_subcore>, window_params = [{transform_indices = #map}, {transform_indices = #map1}]} {
    %mul3A = arith.constant 2 : i32
    %mul3A_0 = arith.muli %arg1, %mul3A : i32
    %add3A = arith.addi %mul3A_0, %arg0 : i32
    %lt3A = arith.constant 8 : i32
    %lt3A_1 = arith.cmpi slt, %add3A, %lt3A : i32
    %convert_element_type3A = arith.extui %lt3A_1 : i1 to i32
    %cond3A = arith.constant 0 : i32
    %cond3A_2 = arith.cmpi ne, %convert_element_type3A, %cond3A : i32
    scf.if %cond3A_2 {
      "tpu.region"() ({
        %run_scoped3A = tpu.sem_alloc : memref<!tpu.dma_semaphore, #tpu.memory_space<semaphore_mem>>
        tpu.enqueue_dma source(%arg2 : memref<2048xi32, #tpu.memory_space<hbm>>) target(%arg4 : memref<2048xi32, #tpu.memory_space<vmem>>) target_semaphore(%run_scoped3A : memref<!tpu.dma_semaphore, #tpu.memory_space<semaphore_mem>>)
        tpu.wait_dma2 semaphore(%run_scoped3A : memref<!tpu.dma_semaphore, #tpu.memory_space<semaphore_mem>>) src(%arg2 : memref<2048xi32, #tpu.memory_space<hbm>>) dst(%arg4 : memref<2048xi32, #tpu.memory_space<vmem>>)
        tpu.yield
      }) : () -> ()
      %mul3A_3 = arith.constant 256 : i32
      %mul3A_4 = arith.muli %add3A, %mul3A_3 : i32
      %get3A = arith.index_cast %mul3A_4 : i32 to index
      %get3A_5 = tpu.vector_load %arg4[%get3A] {strides = array<i32>} : memref<2048xi32, #tpu.memory_space<vmem>>, vector<16xi32>,
      %get3A_6 = vector.shape_cast %get3A_5 : vector<16xi32> to vector<16xi32>
      %mul3A_7 = arith.constant 256 : i32
      %mul3A_8 = arith.muli %add3A, %mul3A_7 : i32
      %add3A_9 = arith.constant 256 : i32
      %add3A_10 = arith.addi %mul3A_8, %add3A_9 : i32
      %sub3A = arith.constant 16 : i32
      %sub3A_11 = arith.subi %add3A_10, %sub3A : i32
      %get3A_12 = arith.index_cast %sub3A_11 : i32 to index
      %get3A_13 = tpu.vector_load %arg4[%get3A_12] {strides = array<i32>} : memref<2048xi32, #tpu.memory_space<vmem>>, vector<16xi32>,
      %get3A_14 = vector.shape_cast %get3A_13 : vector<16xi32> to vector<16xi32>
      %broadcast_in_dim3A = arith.constant 0 : i32
      %broadcast_in_dim3A_15 = vector.broadcast %broadcast_in_dim3A : i32 to vector<16xi32>
      %reshape3A = vector.shape_cast %broadcast_in_dim3A_15 : vector<16xi32> to vector<16x1xi32>
      %gather3A = vector.shape_cast %reshape3A : vector<16x1xi32> to vector<16xi32>
      %gather3A_16 = tpu.dynamic_gather %get3A_6[%gather3A] in [0] : vector<16xi32>, vector<16xi32> -> vector<16xi32>
      %broadcast_in_dim3A_17 = arith.constant 15 : i32
      %broadcast_in_dim3A_18 = vector.broadcast %broadcast_in_dim3A_17 : i32 to vector<16xi32>
      %reshape3A_19 = vector.shape_cast %broadcast_in_dim3A_18 : vector<16xi32> to vector<16x1xi32>
      %gather3A_20 = vector.shape_cast %reshape3A_19 : vector<16x1xi32> to vector<16xi32>
      %gather3A_21 = tpu.dynamic_gather %get3A_14[%gather3A_20] in [0] : vector<16xi32>, vector<16xi32> -> vector<16xi32>
      %broadcast_in_dim3A_22 = arith.constant 0 : i32
      %broadcast_in_dim3A_23 = vector.broadcast %broadcast_in_dim3A_22 : i32 to vector<16xi32>
      %broadcast_in_dim3A_24 = arith.constant 1 : i32
      %broadcast_in_dim3A_25 = vector.broadcast %broadcast_in_dim3A_24 : i32 to vector<16xi32>
      %scan3A = arith.constant 0 : i32
      %scan3A_26 = arith.constant 128 : i32
      %scan3A_27 = arith.addi %scan3A, %scan3A_26 : i32
      %scan3A_28 = arith.constant 1 : i32
      %scan3A_29:2 = scf.for %scan3A_266 = %scan3A to %scan3A_27 step %scan3A_28 iter_args(%scan3A_267 = %broadcast_in_dim3A_23, %scan3A_268 = %broadcast_in_dim3A_23) -> (vector<16xi32>, vector<16xi32>)  : i32 {
        %mul3A_269 = arith.constant 16 : i32
        %mul3A_270 = arith.muli %scan3A_266, %mul3A_269 : i32
        %get3A_271 = arith.index_cast %mul3A_270 : i32 to index
        %get3A_272 = tpu.vector_load %arg4[%get3A_271] {strides = array<i32>} : memref<2048xi32, #tpu.memory_space<vmem>>, vector<16xi32>,
        %get3A_273 = vector.shape_cast %get3A_272 : vector<16xi32> to vector<16xi32>
        %lt3A_274 = arith.cmpi slt, %get3A_273, %gather3A_16 : vector<16xi32>
        %select_n3A_275 = arith.select %lt3A_274, %broadcast_in_dim3A_25, %broadcast_in_dim3A_23 : vector<16xi1>, vector<16xi32>
        %add3A_276 = arith.addi %scan3A_267, %select_n3A_275 : vector<16xi32>
        %le3A = arith.cmpi sle, %get3A_273, %gather3A_21 : vector<16xi32>
        %select_n3A_277 = arith.select %le3A, %broadcast_in_dim3A_25, %broadcast_in_dim3A_23 : vector<16xi1>, vector<16xi32>
        %add3A_278 = arith.addi %scan3A_268, %select_n3A_277 : vector<16xi32>
        scf.yield %add3A_276, %add3A_278 : vector<16xi32>, vector<16xi32>
      }
      %scan3A_30 = arith.constant 128 : i32
      %iota3A = tpu.iota {dimensions = array<i32: 0>} : vector<16xi32>
      %eq3A = arith.constant 0 : i32
      %eq3A_31 = vector.broadcast %eq3A : i32 to vector<16xi32>
      %eq3A_32 = arith.cmpi eq, %iota3A, %eq3A_31 : vector<16xi32>
      %iota3A_33 = tpu.iota {dimensions = array<i32: 0>} : vector<16xi32>
      %add3A_34 = arith.constant 8 : i32
      %add3A_35 = vector.broadcast %add3A_34 : i32 to vector<16xi32>
      %add3A_36 = arith.addi %iota3A_33, %add3A_35 : vector<16xi32>
      %jit3A = arith.constant 16 : i32
      %eq3A_37 = arith.constant 0 : i32
      %eq3A_38 = arith.cmpi eq, %jit3A, %eq3A_37 : i32
      %jit3A_39 = arith.constant 1 : i32
      %select_n3A = arith.select %eq3A_38, %jit3A_39, %jit3A : i32
      %rem3A = vector.broadcast %select_n3A : i32 to vector<16xi32>
      %rem3A_40 = arith.remsi %add3A_36, %rem3A : vector<16xi32>
      %ne3A = arith.constant 0 : i32
      %ne3A_41 = vector.broadcast %ne3A : i32 to vector<16xi32>
      %ne3A_42 = arith.cmpi ne, %rem3A_40, %ne3A_41 : vector<16xi32>
      %lt3A_43 = arith.constant 0 : i32
      %lt3A_44 = vector.broadcast %lt3A_43 : i32 to vector<16xi32>
      %lt3A_45 = arith.cmpi slt, %rem3A_40, %lt3A_44 : vector<16xi32>
      %lt3A_46 = arith.constant 0 : i32
      %lt3A_47 = arith.cmpi slt, %select_n3A, %lt3A_46 : i32
      %ne3A_48 = vector.broadcast %lt3A_47 : i1 to vector<16xi1>
      %ne3A_49 = vector.broadcast %ne3A_48 : vector<16xi1> to vector<16xi1>
      %ne3A_50 = arith.xori %lt3A_45, %ne3A_49 : vector<16xi1>
      %and3A = arith.andi %ne3A_50, %ne3A_42 : vector<16xi1>
      %add3A_51 = vector.broadcast %select_n3A : i32 to vector<16xi32>
      %add3A_52 = arith.addi %rem3A_40, %add3A_51 : vector<16xi32>
      %select_n3A_53 = arith.select %and3A, %add3A_52, %rem3A_40 : vector<16xi1>, vector<16xi32>
      %reshape3A_54 = vector.shape_cast %select_n3A_53 : vector<16xi32> to vector<16x1xi32>
      %gather3A_55 = vector.shape_cast %reshape3A_54 : vector<16x1xi32> to vector<16xi32>
      %gather3A_56 = tpu.dynamic_gather %scan3A_29#0[%gather3A_55] in [0] : vector<16xi32>, vector<16xi32> -> vector<16xi32>
      %add3A_57 = arith.addi %scan3A_29#0, %gather3A_56 : vector<16xi32>
      %add3A_58 = arith.constant 4 : i32
      %add3A_59 = vector.broadcast %add3A_58 : i32 to vector<16xi32>
      %add3A_60 = arith.addi %iota3A_33, %add3A_59 : vector<16xi32>
      %jit3A_61 = arith.constant 16 : i32
      %eq3A_62 = arith.constant 0 : i32
      %eq3A_63 = arith.cmpi eq, %jit3A_61, %eq3A_62 : i32
      %jit3A_64 = arith.constant 1 : i32
      %select_n3A_65 = arith.select %eq3A_63, %jit3A_64, %jit3A_61 : i32
      %rem3A_66 = vector.broadcast %select_n3A_65 : i32 to vector<16xi32>
      %rem3A_67 = arith.remsi %add3A_60, %rem3A_66 : vector<16xi32>
      %ne3A_68 = arith.constant 0 : i32
      %ne3A_69 = vector.broadcast %ne3A_68 : i32 to vector<16xi32>
      %ne3A_70 = arith.cmpi ne, %rem3A_67, %ne3A_69 : vector<16xi32>
      %lt3A_71 = arith.constant 0 : i32
      %lt3A_72 = vector.broadcast %lt3A_71 : i32 to vector<16xi32>
      %lt3A_73 = arith.cmpi slt, %rem3A_67, %lt3A_72 : vector<16xi32>
      %lt3A_74 = arith.constant 0 : i32
      %lt3A_75 = arith.cmpi slt, %select_n3A_65, %lt3A_74 : i32
      %ne3A_76 = vector.broadcast %lt3A_75 : i1 to vector<16xi1>
      %ne3A_77 = vector.broadcast %ne3A_76 : vector<16xi1> to vector<16xi1>
      %ne3A_78 = arith.xori %lt3A_73, %ne3A_77 : vector<16xi1>
      %and3A_79 = arith.andi %ne3A_78, %ne3A_70 : vector<16xi1>
      %add3A_80 = vector.broadcast %select_n3A_65 : i32 to vector<16xi32>
      %add3A_81 = arith.addi %rem3A_67, %add3A_80 : vector<16xi32>
      %select_n3A_82 = arith.select %and3A_79, %add3A_81, %rem3A_67 : vector<16xi1>, vector<16xi32>
      %reshape3A_83 = vector.shape_cast %select_n3A_82 : vector<16xi32> to vector<16x1xi32>
      %gather3A_84 = vector.shape_cast %reshape3A_83 : vector<16x1xi32> to vector<16xi32>
      %gather3A_85 = tpu.dynamic_gather %add3A_57[%gather3A_84] in [0] : vector<16xi32>, vector<16xi32> -> vector<16xi32>
      %add3A_86 = arith.addi %add3A_57, %gather3A_85 : vector<16xi32>
      %add3A_87 = arith.constant 2 : i32
      %add3A_88 = vector.broadcast %add3A_87 : i32 to vector<16xi32>
      %add3A_89 = arith.addi %iota3A_33, %add3A_88 : vector<16xi32>
      %jit3A_90 = arith.constant 16 : i32
      %eq3A_91 = arith.constant 0 : i32
      %eq3A_92 = arith.cmpi eq, %jit3A_90, %eq3A_91 : i32
      %jit3A_93 = arith.constant 1 : i32
      %select_n3A_94 = arith.select %eq3A_92, %jit3A_93, %jit3A_90 : i32
      %rem3A_95 = vector.broadcast %select_n3A_94 : i32 to vector<16xi32>
      %rem3A_96 = arith.remsi %add3A_89, %rem3A_95 : vector<16xi32>
      %ne3A_97 = arith.constant 0 : i32
      %ne3A_98 = vector.broadcast %ne3A_97 : i32 to vector<16xi32>
      %ne3A_99 = arith.cmpi ne, %rem3A_96, %ne3A_98 : vector<16xi32>
      %lt3A_100 = arith.constant 0 : i32
      %lt3A_101 = vector.broadcast %lt3A_100 : i32 to vector<16xi32>
      %lt3A_102 = arith.cmpi slt, %rem3A_96, %lt3A_101 : vector<16xi32>
      %lt3A_103 = arith.constant 0 : i32
      %lt3A_104 = arith.cmpi slt, %select_n3A_94, %lt3A_103 : i32
      %ne3A_105 = vector.broadcast %lt3A_104 : i1 to vector<16xi1>
      %ne3A_106 = vector.broadcast %ne3A_105 : vector<16xi1> to vector<16xi1>
      %ne3A_107 = arith.xori %lt3A_102, %ne3A_106 : vector<16xi1>
      %and3A_108 = arith.andi %ne3A_107, %ne3A_99 : vector<16xi1>
      %add3A_109 = vector.broadcast %select_n3A_94 : i32 to vector<16xi32>
      %add3A_110 = arith.addi %rem3A_96, %add3A_109 : vector<16xi32>
      %select_n3A_111 = arith.select %and3A_108, %add3A_110, %rem3A_96 : vector<16xi1>, vector<16xi32>
      %reshape3A_112 = vector.shape_cast %select_n3A_111 : vector<16xi32> to vector<16x1xi32>
      %gather3A_113 = vector.shape_cast %reshape3A_112 : vector<16x1xi32> to vector<16xi32>
      %gather3A_114 = tpu.dynamic_gather %add3A_86[%gather3A_113] in [0] : vector<16xi32>, vector<16xi32> -> vector<16xi32>
      %add3A_115 = arith.addi %add3A_86, %gather3A_114 : vector<16xi32>
      %add3A_116 = arith.constant 1 : i32
      %add3A_117 = vector.broadcast %add3A_116 : i32 to vector<16xi32>
      %add3A_118 = arith.addi %iota3A_33, %add3A_117 : vector<16xi32>
      %jit3A_119 = arith.constant 16 : i32
      %eq3A_120 = arith.constant 0 : i32
      %eq3A_121 = arith.cmpi eq, %jit3A_119, %eq3A_120 : i32
      %jit3A_122 = arith.constant 1 : i32
      %select_n3A_123 = arith.select %eq3A_121, %jit3A_122, %jit3A_119 : i32
      %rem3A_124 = vector.broadcast %select_n3A_123 : i32 to vector<16xi32>
      %rem3A_125 = arith.remsi %add3A_118, %rem3A_124 : vector<16xi32>
      %ne3A_126 = arith.constant 0 : i32
      %ne3A_127 = vector.broadcast %ne3A_126 : i32 to vector<16xi32>
      %ne3A_128 = arith.cmpi ne, %rem3A_125, %ne3A_127 : vector<16xi32>
      %lt3A_129 = arith.constant 0 : i32
      %lt3A_130 = vector.broadcast %lt3A_129 : i32 to vector<16xi32>
      %lt3A_131 = arith.cmpi slt, %rem3A_125, %lt3A_130 : vector<16xi32>
      %lt3A_132 = arith.constant 0 : i32
      %lt3A_133 = arith.cmpi slt, %select_n3A_123, %lt3A_132 : i32
      %ne3A_134 = vector.broadcast %lt3A_133 : i1 to vector<16xi1>
      %ne3A_135 = vector.broadcast %ne3A_134 : vector<16xi1> to vector<16xi1>
      %ne3A_136 = arith.xori %lt3A_131, %ne3A_135 : vector<16xi1>
      %and3A_137 = arith.andi %ne3A_136, %ne3A_128 : vector<16xi1>
      %add3A_138 = vector.broadcast %select_n3A_123 : i32 to vector<16xi32>
      %add3A_139 = arith.addi %rem3A_125, %add3A_138 : vector<16xi32>
      %select_n3A_140 = arith.select %and3A_137, %add3A_139, %rem3A_125 : vector<16xi1>, vector<16xi32>
      %reshape3A_141 = vector.shape_cast %select_n3A_140 : vector<16xi32> to vector<16x1xi32>
      %gather3A_142 = vector.shape_cast %reshape3A_141 : vector<16x1xi32> to vector<16xi32>
      %gather3A_143 = tpu.dynamic_gather %add3A_115[%gather3A_142] in [0] : vector<16xi32>, vector<16xi32> -> vector<16xi32>
      %add3A_144 = arith.addi %add3A_115, %gather3A_143 : vector<16xi32>
      %iota3A_145 = tpu.iota {dimensions = array<i32: 0>} : vector<16xi32>
      %add3A_146 = arith.constant 8 : i32
      %add3A_147 = vector.broadcast %add3A_146 : i32 to vector<16xi32>
      %add3A_148 = arith.addi %iota3A_145, %add3A_147 : vector<16xi32>
      %jit3A_149 = arith.constant 16 : i32
      %eq3A_150 = arith.constant 0 : i32
      %eq3A_151 = arith.cmpi eq, %jit3A_149, %eq3A_150 : i32
      %jit3A_152 = arith.constant 1 : i32
      %select_n3A_153 = arith.select %eq3A_151, %jit3A_152, %jit3A_149 : i32
      %rem3A_154 = vector.broadcast %select_n3A_153 : i32 to vector<16xi32>
      %rem3A_155 = arith.remsi %add3A_148, %rem3A_154 : vector<16xi32>
      %ne3A_156 = arith.constant 0 : i32
      %ne3A_157 = vector.broadcast %ne3A_156 : i32 to vector<16xi32>
      %ne3A_158 = arith.cmpi ne, %rem3A_155, %ne3A_157 : vector<16xi32>
      %lt3A_159 = arith.constant 0 : i32
      %lt3A_160 = vector.broadcast %lt3A_159 : i32 to vector<16xi32>
      %lt3A_161 = arith.cmpi slt, %rem3A_155, %lt3A_160 : vector<16xi32>
      %lt3A_162 = arith.constant 0 : i32
      %lt3A_163 = arith.cmpi slt, %select_n3A_153, %lt3A_162 : i32
      %ne3A_164 = vector.broadcast %lt3A_163 : i1 to vector<16xi1>
      %ne3A_165 = vector.broadcast %ne3A_164 : vector<16xi1> to vector<16xi1>
      %ne3A_166 = arith.xori %lt3A_161, %ne3A_165 : vector<16xi1>
      %and3A_167 = arith.andi %ne3A_166, %ne3A_158 : vector<16xi1>
      %add3A_168 = vector.broadcast %select_n3A_153 : i32 to vector<16xi32>
      %add3A_169 = arith.addi %rem3A_155, %add3A_168 : vector<16xi32>
      %select_n3A_170 = arith.select %and3A_167, %add3A_169, %rem3A_155 : vector<16xi1>, vector<16xi32>
      %reshape3A_171 = vector.shape_cast %select_n3A_170 : vector<16xi32> to vector<16x1xi32>
      %gather3A_172 = vector.shape_cast %reshape3A_171 : vector<16x1xi32> to vector<16xi32>
      %gather3A_173 = tpu.dynamic_gather %scan3A_29#1[%gather3A_172] in [0] : vector<16xi32>, vector<16xi32> -> vector<16xi32>
      %add3A_174 = arith.addi %scan3A_29#1, %gather3A_173 : vector<16xi32>
      %add3A_175 = arith.constant 4 : i32
      %add3A_176 = vector.broadcast %add3A_175 : i32 to vector<16xi32>
      %add3A_177 = arith.addi %iota3A_145, %add3A_176 : vector<16xi32>
      %jit3A_178 = arith.constant 16 : i32
      %eq3A_179 = arith.constant 0 : i32
      %eq3A_180 = arith.cmpi eq, %jit3A_178, %eq3A_179 : i32
      %jit3A_181 = arith.constant 1 : i32
      %select_n3A_182 = arith.select %eq3A_180, %jit3A_181, %jit3A_178 : i32
      %rem3A_183 = vector.broadcast %select_n3A_182 : i32 to vector<16xi32>
      %rem3A_184 = arith.remsi %add3A_177, %rem3A_183 : vector<16xi32>
      %ne3A_185 = arith.constant 0 : i32
      %ne3A_186 = vector.broadcast %ne3A_185 : i32 to vector<16xi32>
      %ne3A_187 = arith.cmpi ne, %rem3A_184, %ne3A_186 : vector<16xi32>
      %lt3A_188 = arith.constant 0 : i32
      %lt3A_189 = vector.broadcast %lt3A_188 : i32 to vector<16xi32>
      %lt3A_190 = arith.cmpi slt, %rem3A_184, %lt3A_189 : vector<16xi32>
      %lt3A_191 = arith.constant 0 : i32
      %lt3A_192 = arith.cmpi slt, %select_n3A_182, %lt3A_191 : i32
      %ne3A_193 = vector.broadcast %lt3A_192 : i1 to vector<16xi1>
      %ne3A_194 = vector.broadcast %ne3A_193 : vector<16xi1> to vector<16xi1>
      %ne3A_195 = arith.xori %lt3A_190, %ne3A_194 : vector<16xi1>
      %and3A_196 = arith.andi %ne3A_195, %ne3A_187 : vector<16xi1>
      %add3A_197 = vector.broadcast %select_n3A_182 : i32 to vector<16xi32>
      %add3A_198 = arith.addi %rem3A_184, %add3A_197 : vector<16xi32>
      %select_n3A_199 = arith.select %and3A_196, %add3A_198, %rem3A_184 : vector<16xi1>, vector<16xi32>
      %reshape3A_200 = vector.shape_cast %select_n3A_199 : vector<16xi32> to vector<16x1xi32>
      %gather3A_201 = vector.shape_cast %reshape3A_200 : vector<16x1xi32> to vector<16xi32>
      %gather3A_202 = tpu.dynamic_gather %add3A_174[%gather3A_201] in [0] : vector<16xi32>, vector<16xi32> -> vector<16xi32>
      %add3A_203 = arith.addi %add3A_174, %gather3A_202 : vector<16xi32>
      %add3A_204 = arith.constant 2 : i32
      %add3A_205 = vector.broadcast %add3A_204 : i32 to vector<16xi32>
      %add3A_206 = arith.addi %iota3A_145, %add3A_205 : vector<16xi32>
      %jit3A_207 = arith.constant 16 : i32
      %eq3A_208 = arith.constant 0 : i32
      %eq3A_209 = arith.cmpi eq, %jit3A_207, %eq3A_208 : i32
      %jit3A_210 = arith.constant 1 : i32
      %select_n3A_211 = arith.select %eq3A_209, %jit3A_210, %jit3A_207 : i32
      %rem3A_212 = vector.broadcast %select_n3A_211 : i32 to vector<16xi32>
      %rem3A_213 = arith.remsi %add3A_206, %rem3A_212 : vector<16xi32>
      %ne3A_214 = arith.constant 0 : i32
      %ne3A_215 = vector.broadcast %ne3A_214 : i32 to vector<16xi32>
      %ne3A_216 = arith.cmpi ne, %rem3A_213, %ne3A_215 : vector<16xi32>
      %lt3A_217 = arith.constant 0 : i32
      %lt3A_218 = vector.broadcast %lt3A_217 : i32 to vector<16xi32>
      %lt3A_219 = arith.cmpi slt, %rem3A_213, %lt3A_218 : vector<16xi32>
      %lt3A_220 = arith.constant 0 : i32
      %lt3A_221 = arith.cmpi slt, %select_n3A_211, %lt3A_220 : i32
      %ne3A_222 = vector.broadcast %lt3A_221 : i1 to vector<16xi1>
      %ne3A_223 = vector.broadcast %ne3A_222 : vector<16xi1> to vector<16xi1>
      %ne3A_224 = arith.xori %lt3A_219, %ne3A_223 : vector<16xi1>
      %and3A_225 = arith.andi %ne3A_224, %ne3A_216 : vector<16xi1>
      %add3A_226 = vector.broadcast %select_n3A_211 : i32 to vector<16xi32>
      %add3A_227 = arith.addi %rem3A_213, %add3A_226 : vector<16xi32>
      %select_n3A_228 = arith.select %and3A_225, %add3A_227, %rem3A_213 : vector<16xi1>, vector<16xi32>
      %reshape3A_229 = vector.shape_cast %select_n3A_228 : vector<16xi32> to vector<16x1xi32>
      %gather3A_230 = vector.shape_cast %reshape3A_229 : vector<16x1xi32> to vector<16xi32>
      %gather3A_231 = tpu.dynamic_gather %add3A_203[%gather3A_230] in [0] : vector<16xi32>, vector<16xi32> -> vector<16xi32>
      %add3A_232 = arith.addi %add3A_203, %gather3A_231 : vector<16xi32>
      %add3A_233 = arith.constant 1 : i32
      %add3A_234 = vector.broadcast %add3A_233 : i32 to vector<16xi32>
      %add3A_235 = arith.addi %iota3A_145, %add3A_234 : vector<16xi32>
      %jit3A_236 = arith.constant 16 : i32
      %eq3A_237 = arith.constant 0 : i32
      %eq3A_238 = arith.cmpi eq, %jit3A_236, %eq3A_237 : i32
      %jit3A_239 = arith.constant 1 : i32
      %select_n3A_240 = arith.select %eq3A_238, %jit3A_239, %jit3A_236 : i32
      %rem3A_241 = vector.broadcast %select_n3A_240 : i32 to vector<16xi32>
      %rem3A_242 = arith.remsi %add3A_235, %rem3A_241 : vector<16xi32>
      %ne3A_243 = arith.constant 0 : i32
      %ne3A_244 = vector.broadcast %ne3A_243 : i32 to vector<16xi32>
      %ne3A_245 = arith.cmpi ne, %rem3A_242, %ne3A_244 : vector<16xi32>
      %lt3A_246 = arith.constant 0 : i32
      %lt3A_247 = vector.broadcast %lt3A_246 : i32 to vector<16xi32>
      %lt3A_248 = arith.cmpi slt, %rem3A_242, %lt3A_247 : vector<16xi32>
      %lt3A_249 = arith.constant 0 : i32
      %lt3A_250 = arith.cmpi slt, %select_n3A_240, %lt3A_249 : i32
      %ne3A_251 = vector.broadcast %lt3A_250 : i1 to vector<16xi1>
      %ne3A_252 = vector.broadcast %ne3A_251 : vector<16xi1> to vector<16xi1>
      %ne3A_253 = arith.xori %lt3A_248, %ne3A_252 : vector<16xi1>
      %and3A_254 = arith.andi %ne3A_253, %ne3A_245 : vector<16xi1>
      %add3A_255 = vector.broadcast %select_n3A_240 : i32 to vector<16xi32>
      %add3A_256 = arith.addi %rem3A_242, %add3A_255 : vector<16xi32>
      %select_n3A_257 = arith.select %and3A_254, %add3A_256, %rem3A_242 : vector<16xi1>, vector<16xi32>
      %reshape3A_258 = vector.shape_cast %select_n3A_257 : vector<16xi32> to vector<16x1xi32>
      %gather3A_259 = vector.shape_cast %reshape3A_258 : vector<16x1xi32> to vector<16xi32>
      %gather3A_260 = tpu.dynamic_gather %add3A_232[%gather3A_259] in [0] : vector<16xi32>, vector<16xi32> -> vector<16xi32>
      %add3A_261 = arith.addi %add3A_232, %gather3A_260 : vector<16xi32>
      %select_n3A_262 = arith.select %eq3A_32, %add3A_144, %add3A_261 : vector<16xi1>, vector<16xi32>
      %swap3A = arith.constant 0 : index
      %swap3A_263 = tpu.vector_load %arg5[%swap3A] {strides = array<i32>} : memref<16xi32, #tpu.memory_space<vmem>>, vector<16xi32>,
      %swap3A_264 = vector.shape_cast %swap3A_263 : vector<16xi32> to vector<16xi32>
      %swap3A_265 = vector.shape_cast %select_n3A_262 : vector<16xi32> to vector<16xi32>
      tpu.vector_store %arg5[%swap3A], %swap3A_265 {strides = array<i32>} : memref<16xi32, #tpu.memory_space<vmem>>, vector<16xi32>,
      "tpu.region"() ({
        %run_scoped3A = tpu.sem_alloc : memref<!tpu.dma_semaphore, #tpu.memory_space<semaphore_mem>>
        %dma_start3A = arith.constant 0 : i32
        %dma_start3A_266 = tpu.memref_slice %arg3[%add3A, %dma_start3A] : memref<8x16xi32, #tpu.memory_space<hbm>> -> memref<1x16xi32, #tpu.memory_space<hbm>>
        %dma_start3A_267 = tpu.memref_squeeze %dma_start3A_266 : memref<1x16xi32, #tpu.memory_space<hbm>> -> memref<16xi32, #tpu.memory_space<hbm>>
        %dma_start3A_268 = arith.constant 0 : i32
        %dma_start3A_269 = tpu.memref_slice %arg3[%add3A, %dma_start3A_268] : memref<8x16xi32, #tpu.memory_space<hbm>> -> memref<1x16xi32, #tpu.memory_space<hbm>>
        %dma_start3A_270 = tpu.memref_squeeze %dma_start3A_269 : memref<1x16xi32, #tpu.memory_space<hbm>> -> memref<16xi32, #tpu.memory_space<hbm>>
        tpu.enqueue_dma source(%arg5 : memref<16xi32, #tpu.memory_space<vmem>>) target(%dma_start3A_270 : memref<16xi32, #tpu.memory_space<hbm>>) target_semaphore(%run_scoped3A : memref<!tpu.dma_semaphore, #tpu.memory_space<semaphore_mem>>)
        %dma_wait3A = arith.constant 0 : i32
        %dma_wait3A_271 = tpu.memref_slice %arg3[%add3A, %dma_wait3A] : memref<8x16xi32, #tpu.memory_space<hbm>> -> memref<1x16xi32, #tpu.memory_space<hbm>>
        %dma_wait3A_272 = tpu.memref_squeeze %dma_wait3A_271 : memref<1x16xi32, #tpu.memory_space<hbm>> -> memref<16xi32, #tpu.memory_space<hbm>>
        %dma_wait3A_273 = arith.constant 0 : i32
        %dma_wait3A_274 = tpu.memref_slice %arg3[%add3A, %dma_wait3A_273] : memref<8x16xi32, #tpu.memory_space<hbm>> -> memref<1x16xi32, #tpu.memory_space<hbm>>
        %dma_wait3A_275 = tpu.memref_squeeze %dma_wait3A_274 : memref<1x16xi32, #tpu.memory_space<hbm>> -> memref<16xi32, #tpu.memory_space<hbm>>
        tpu.wait_dma2 semaphore(%run_scoped3A : memref<!tpu.dma_semaphore, #tpu.memory_space<semaphore_mem>>) src(%arg5 : memref<16xi32, #tpu.memory_space<vmem>>) dst(%dma_wait3A_275 : memref<16xi32, #tpu.memory_space<hbm>>)
        tpu.yield
      }) : () -> ()
    } else {
    }
    return
  }
}

module attributes {stable_mosaic.version = 14 : i64} {
  func.func @_flash_kernel(%arg0: i32, %arg1: i32, %arg2: memref<16xi32, #tpu.memory_space<smem>>, %arg3: memref<256x8xi32, #tpu.memory_space<vmem>>, %arg4: memref<8x2048xi32, #tpu.memory_space<vmem>>, %arg5: memref<1x256x128xbf16, #tpu.memory_space<vmem>>, %arg6: memref<1x2048x128xbf16, #tpu.memory_space<vmem>>, %arg7: memref<1x2048x128xbf16, #tpu.memory_space<vmem>>, %arg8: memref<1x256x128xf32, #tpu.memory_space<vmem>>) attributes {dimension_semantics = [#tpu.dimension_semantics<arbitrary>, #tpu.dimension_semantics<arbitrary>], iteration_bounds = array<i64: 16, 8>, scalar_prefetch = 1 : i64, scratch_operands = 0 : i64, tpu.core_type = #tpu.core_type<tc>, window_params = [{transform_indices = @transform_0, window_bounds = array<i64: 256, 8>}, {pipeline_mode = #tpu.pipeline_mode<synchronous>, transform_indices = @transform_1, window_bounds = array<i64: 8, 2048>}, {transform_indices = @transform_2, window_bounds = array<i64: 1, 256, 128>}, {transform_indices = @transform_3, window_bounds = array<i64: 1, 2048, 128>}, {transform_indices = @transform_4, window_bounds = array<i64: 1, 2048, 128>}, {transform_indices = @transform_5, window_bounds = array<i64: 1, 256, 128>}]} {
    %mul3A = arith.constant 2 : i32
    %mul3A_0 = arith.muli %mul3A, %arg1 : i32
    %get3A = arith.index_cast %mul3A_0 : i32 to index
    %get3A_1 = memref.load %arg2[%get3A] : memref<16xi32, #tpu.memory_space<smem>>
    %jit3A = arith.constant 256 : i32
    %div3A = arith.divsi %get3A_1, %jit3A : i32
    %sign3A = arith.constant 0 : i32
    %sign3A_2 = arith.cmpi sgt, %get3A_1, %sign3A : i32
    %sign3A_3 = arith.extui %sign3A_2 : i1 to i32
    %sign3A_4 = arith.constant 0 : i32
    %sign3A_5 = arith.cmpi slt, %get3A_1, %sign3A_4 : i32
    %sign3A_6 = arith.extui %sign3A_5 : i1 to i32
    %sign3A_7 = arith.subi %sign3A_3, %sign3A_6 : i32
    %sign3A_8 = arith.constant 0 : i32
    %sign3A_9 = arith.cmpi sgt, %jit3A, %sign3A_8 : i32
    %sign3A_10 = arith.extui %sign3A_9 : i1 to i32
    %sign3A_11 = arith.constant 0 : i32
    %sign3A_12 = arith.cmpi slt, %jit3A, %sign3A_11 : i32
    %sign3A_13 = arith.extui %sign3A_12 : i1 to i32
    %sign3A_14 = arith.subi %sign3A_10, %sign3A_13 : i32
    %ne3A = arith.cmpi ne, %sign3A_7, %sign3A_14 : i32
    %rem3A = arith.remsi %get3A_1, %jit3A : i32
    %ne3A_15 = arith.constant 0 : i32
    %ne3A_16 = arith.cmpi ne, %rem3A, %ne3A_15 : i32
    %and3A = arith.andi %ne3A, %ne3A_16 : i1
    %sub3A = arith.constant 1 : i32
    %sub3A_17 = arith.subi %div3A, %sub3A : i32
    %select_n3A = arith.select %and3A, %sub3A_17, %div3A : i32
    %mul3A_18 = arith.constant 2 : i32
    %mul3A_19 = arith.muli %mul3A_18, %arg1 : i32
    %add3A = arith.constant 1 : i32
    %add3A_20 = arith.addi %mul3A_19, %add3A : i32
    %get3A_21 = arith.index_cast %add3A_20 : i32 to index
    %get3A_22 = memref.load %arg2[%get3A_21] : memref<16xi32, #tpu.memory_space<smem>>
    %add3A_23 = arith.constant 256 : i32
    %add3A_24 = arith.addi %get3A_22, %add3A_23 : i32
    %sub3A_25 = arith.constant 1 : i32
    %sub3A_26 = arith.subi %add3A_24, %sub3A_25 : i32
    %jit3A_27 = arith.constant 256 : i32
    %div3A_28 = arith.divsi %sub3A_26, %jit3A_27 : i32
    %sign3A_29 = arith.constant 0 : i32
    %sign3A_30 = arith.cmpi sgt, %sub3A_26, %sign3A_29 : i32
    %sign3A_31 = arith.extui %sign3A_30 : i1 to i32
    %sign3A_32 = arith.constant 0 : i32
    %sign3A_33 = arith.cmpi slt, %sub3A_26, %sign3A_32 : i32
    %sign3A_34 = arith.extui %sign3A_33 : i1 to i32
    %sign3A_35 = arith.subi %sign3A_31, %sign3A_34 : i32
    %sign3A_36 = arith.constant 0 : i32
    %sign3A_37 = arith.cmpi sgt, %jit3A_27, %sign3A_36 : i32
    %sign3A_38 = arith.extui %sign3A_37 : i1 to i32
    %sign3A_39 = arith.constant 0 : i32
    %sign3A_40 = arith.cmpi slt, %jit3A_27, %sign3A_39 : i32
    %sign3A_41 = arith.extui %sign3A_40 : i1 to i32
    %sign3A_42 = arith.subi %sign3A_38, %sign3A_41 : i32
    %ne3A_43 = arith.cmpi ne, %sign3A_35, %sign3A_42 : i32
    %rem3A_44 = arith.remsi %sub3A_26, %jit3A_27 : i32
    %ne3A_45 = arith.constant 0 : i32
    %ne3A_46 = arith.cmpi ne, %rem3A_44, %ne3A_45 : i32
    %and3A_47 = arith.andi %ne3A_43, %ne3A_46 : i1
    %sub3A_48 = arith.constant 1 : i32
    %sub3A_49 = arith.subi %div3A_28, %sub3A_48 : i32
    %select_n3A_50 = arith.select %and3A_47, %sub3A_49, %div3A_28 : i32
    %get3A_51 = arith.constant 0 : index
    %get3A_52 = arith.constant 0 : index
    %get3A_53 = arith.constant 0 : index
    %get3A_54 = vector.load %arg5[%get3A_51, %get3A_52, %get3A_53] : memref<1x256x128xbf16, #tpu.memory_space<vmem>>, vector<1x256x128xbf16>
    %get3A_55 = vector.shape_cast %get3A_54 : vector<1x256x128xbf16> to vector<256x128xbf16>
    %get3A_56 = arith.constant 0 : index
    %get3A_57 = arith.constant 0 : index
    %get3A_58 = vector.load %arg3[%get3A_56, %get3A_57] : memref<256x8xi32, #tpu.memory_space<vmem>>, vector<256x1xi32>
    %broadcast_in_dim3A = arith.constant -1.000000e+29 : f32
    %broadcast_in_dim3A_59 = vector.broadcast %broadcast_in_dim3A : f32 to vector<256x1xf32>
    %broadcast_in_dim3A_60 = arith.constant 0.000000e+00 : f32
    %broadcast_in_dim3A_61 = vector.broadcast %broadcast_in_dim3A_60 : f32 to vector<256x1xf32>
    %broadcast_in_dim3A_62 = arith.constant 0.000000e+00 : f32
    %broadcast_in_dim3A_63 = vector.broadcast %broadcast_in_dim3A_62 : f32 to vector<256x128xf32>
    %while3A = arith.subi %select_n3A_50, %select_n3A : i32
    %while3A_64 = arith.addi %select_n3A, %while3A : i32
    %while3A_65 = arith.constant 1 : i32
    %while3A_66 = arith.divsi %while3A, %while3A_65 : i32
    %while3A_67 = arith.muli %while3A_66, %while3A_65 : i32
    %while3A_68 = arith.addi %select_n3A, %while3A_67 : i32
    %while3A_69 = arith.constant 1 : i32
    %while3A_70:3 = scf.for %while3A_80 = %select_n3A to %while3A_68 step %while3A_69 iter_args(%while3A_81 = %broadcast_in_dim3A_59, %while3A_82 = %broadcast_in_dim3A_61, %while3A_83 = %broadcast_in_dim3A_63) -> (vector<256x1xf32>, vector<256x1xf32>, vector<256x128xf32>)  : i32 {
      %mul3A_84 = arith.constant 256 : i32
      %mul3A_85 = arith.muli %while3A_80, %mul3A_84 : i32
      %get3A_86 = arith.constant 0 : index
      %get3A_87 = arith.index_cast %mul3A_85 : i32 to index
      %get3A_88 = arith.constant 0 : index
      %get3A_89 = vector.load %arg6[%get3A_86, %get3A_87, %get3A_88] : memref<1x2048x128xbf16, #tpu.memory_space<vmem>>, vector<1x256x128xbf16>
      %get3A_90 = vector.shape_cast %get3A_89 : vector<1x256x128xbf16> to vector<256x128xbf16>
      %get3A_91 = arith.constant 0 : index
      %get3A_92 = arith.index_cast %mul3A_85 : i32 to index
      %get3A_93 = arith.constant 0 : index
      %get3A_94 = vector.load %arg7[%get3A_91, %get3A_92, %get3A_93] : memref<1x2048x128xbf16, #tpu.memory_space<vmem>>, vector<1x256x128xbf16>
      %get3A_95 = vector.shape_cast %get3A_94 : vector<1x256x128xbf16> to vector<256x128xbf16>
      %get3A_96 = arith.constant 0 : index
      %get3A_97 = arith.index_cast %mul3A_85 : i32 to index
      %get3A_98 = vector.load %arg4[%get3A_96, %get3A_97] : memref<8x2048xi32, #tpu.memory_space<vmem>>, vector<1x256xi32>
      %dot_general3A = arith.constant dense<0.000000e+00> : vector<256x256xf32>
      %dot_general3A_99 = tpu.matmul %get3A_55, %get3A_90, %dot_general3A {dimension_numbers = #tpu.dot_dimension_numbers<[1], [1], [0], [0], [0, 0, 1, 0], [], []>, transpose_lhs_hint = false} : vector<256x128xbf16>, vector<256x128xbf16>, vector<256x256xf32> -> vector<256x256xf32>
      %mul3A_100 = arith.constant 0.0883883461 : f32
      %mul3A_101 = vector.broadcast %mul3A_100 : f32 to vector<256x256xf32>
      %mul3A_102 = arith.mulf %dot_general3A_99, %mul3A_101 : vector<256x256xf32>
      %eq3A = vector.broadcast %get3A_58 : vector<256x1xi32> to vector<256x256xi32>
      %eq3A_103 = vector.broadcast %get3A_98 : vector<1x256xi32> to vector<256x256xi32>
      %eq3A_104 = arith.cmpi eq, %eq3A, %eq3A_103 : vector<256x256xi32>
      %jit3A_105 = arith.constant -1.000000e+30 : f32
      %broadcast_in_dim3A_106 = vector.broadcast %jit3A_105 : f32 to vector<256x256xf32>
      %select_n3A_107 = arith.select %eq3A_104, %mul3A_102, %broadcast_in_dim3A_106 : vector<256x256xi1>, vector<256x256xf32>
      %reduce_max3A = arith.constant dense<0xFF800000> : vector<256xf32>
      %reduce_max3A_108 = vector.multi_reduction <maximumf>, %select_n3A_107, %reduce_max3A [1] : vector<256x256xf32> to vector<256xf32>
      %broadcast_in_dim3A_109 = vector.shape_cast %reduce_max3A_108 : vector<256xf32> to vector<256x1xf32>
      %max3A = arith.maximumf %while3A_81, %broadcast_in_dim3A_109 : vector<256x1xf32>
      %sub3A_110 = vector.broadcast %max3A : vector<256x1xf32> to vector<256x256xf32>
      %sub3A_111 = arith.subf %select_n3A_107, %sub3A_110 : vector<256x256xf32>
      %exp3A = math.exp %sub3A_111 : vector<256x256xf32>
      %sub3A_112 = arith.subf %while3A_81, %max3A : vector<256x1xf32>
      %exp3A_113 = math.exp %sub3A_112 : vector<256x1xf32>
      %mul3A_114 = arith.mulf %while3A_82, %exp3A_113 : vector<256x1xf32>
      %reduce_sum3A = arith.constant dense<0.000000e+00> : vector<256xf32>
      %reduce_sum3A_115 = vector.multi_reduction <add>, %exp3A, %reduce_sum3A [1] : vector<256x256xf32> to vector<256xf32>
      %broadcast_in_dim3A_116 = vector.shape_cast %reduce_sum3A_115 : vector<256xf32> to vector<256x1xf32>
      %add3A_117 = arith.addf %mul3A_114, %broadcast_in_dim3A_116 : vector<256x1xf32>
      %mul3A_118 = vector.broadcast %exp3A_113 : vector<256x1xf32> to vector<256x128xf32>
      %mul3A_119 = arith.mulf %while3A_83, %mul3A_118 : vector<256x128xf32>
      %convert_element_type3A = arith.truncf %exp3A : vector<256x256xf32> to vector<256x256xbf16>
      %dot_general3A_120 = arith.constant dense<0.000000e+00> : vector<256x128xf32>
      %dot_general3A_121 = tpu.matmul %convert_element_type3A, %get3A_95, %dot_general3A_120 {dimension_numbers = #tpu.dot_dimension_numbers<[1], [0], [0], [1], [0, 0, 1, 1], [], []>, transpose_lhs_hint = false} : vector<256x256xbf16>, vector<256x128xbf16>, vector<256x128xf32> -> vector<256x128xf32>
      %add3A_122 = arith.addf %mul3A_119, %dot_general3A_121 : vector<256x128xf32>
      scf.yield %max3A, %add3A_117, %add3A_122 : vector<256x1xf32>, vector<256x1xf32>, vector<256x128xf32>
    }
    %while3A_71 = arith.constant 1 : i32
    %while3A_72:3 = scf.for %while3A_80 = %while3A_68 to %while3A_64 step %while3A_71 iter_args(%while3A_81 = %while3A_70#0, %while3A_82 = %while3A_70#1, %while3A_83 = %while3A_70#2) -> (vector<256x1xf32>, vector<256x1xf32>, vector<256x128xf32>)  : i32 {
      %mul3A_84 = arith.constant 256 : i32
      %mul3A_85 = arith.muli %while3A_80, %mul3A_84 : i32
      %get3A_86 = arith.constant 0 : index
      %get3A_87 = arith.index_cast %mul3A_85 : i32 to index
      %get3A_88 = arith.constant 0 : index
      %get3A_89 = vector.load %arg6[%get3A_86, %get3A_87, %get3A_88] : memref<1x2048x128xbf16, #tpu.memory_space<vmem>>, vector<1x256x128xbf16>
      %get3A_90 = vector.shape_cast %get3A_89 : vector<1x256x128xbf16> to vector<256x128xbf16>
      %get3A_91 = arith.constant 0 : index
      %get3A_92 = arith.index_cast %mul3A_85 : i32 to index
      %get3A_93 = arith.constant 0 : index
      %get3A_94 = vector.load %arg7[%get3A_91, %get3A_92, %get3A_93] : memref<1x2048x128xbf16, #tpu.memory_space<vmem>>, vector<1x256x128xbf16>
      %get3A_95 = vector.shape_cast %get3A_94 : vector<1x256x128xbf16> to vector<256x128xbf16>
      %get3A_96 = arith.constant 0 : index
      %get3A_97 = arith.index_cast %mul3A_85 : i32 to index
      %get3A_98 = vector.load %arg4[%get3A_96, %get3A_97] : memref<8x2048xi32, #tpu.memory_space<vmem>>, vector<1x256xi32>
      %dot_general3A = arith.constant dense<0.000000e+00> : vector<256x256xf32>
      %dot_general3A_99 = tpu.matmul %get3A_55, %get3A_90, %dot_general3A {dimension_numbers = #tpu.dot_dimension_numbers<[1], [1], [0], [0], [0, 0, 1, 0], [], []>, transpose_lhs_hint = false} : vector<256x128xbf16>, vector<256x128xbf16>, vector<256x256xf32> -> vector<256x256xf32>
      %mul3A_100 = arith.constant 0.0883883461 : f32
      %mul3A_101 = vector.broadcast %mul3A_100 : f32 to vector<256x256xf32>
      %mul3A_102 = arith.mulf %dot_general3A_99, %mul3A_101 : vector<256x256xf32>
      %eq3A = vector.broadcast %get3A_58 : vector<256x1xi32> to vector<256x256xi32>
      %eq3A_103 = vector.broadcast %get3A_98 : vector<1x256xi32> to vector<256x256xi32>
      %eq3A_104 = arith.cmpi eq, %eq3A, %eq3A_103 : vector<256x256xi32>
      %jit3A_105 = arith.constant -1.000000e+30 : f32
      %broadcast_in_dim3A_106 = vector.broadcast %jit3A_105 : f32 to vector<256x256xf32>
      %select_n3A_107 = arith.select %eq3A_104, %mul3A_102, %broadcast_in_dim3A_106 : vector<256x256xi1>, vector<256x256xf32>
      %reduce_max3A = arith.constant dense<0xFF800000> : vector<256xf32>
      %reduce_max3A_108 = vector.multi_reduction <maximumf>, %select_n3A_107, %reduce_max3A [1] : vector<256x256xf32> to vector<256xf32>
      %broadcast_in_dim3A_109 = vector.shape_cast %reduce_max3A_108 : vector<256xf32> to vector<256x1xf32>
      %max3A = arith.maximumf %while3A_81, %broadcast_in_dim3A_109 : vector<256x1xf32>
      %sub3A_110 = vector.broadcast %max3A : vector<256x1xf32> to vector<256x256xf32>
      %sub3A_111 = arith.subf %select_n3A_107, %sub3A_110 : vector<256x256xf32>
      %exp3A = math.exp %sub3A_111 : vector<256x256xf32>
      %sub3A_112 = arith.subf %while3A_81, %max3A : vector<256x1xf32>
      %exp3A_113 = math.exp %sub3A_112 : vector<256x1xf32>
      %mul3A_114 = arith.mulf %while3A_82, %exp3A_113 : vector<256x1xf32>
      %reduce_sum3A = arith.constant dense<0.000000e+00> : vector<256xf32>
      %reduce_sum3A_115 = vector.multi_reduction <add>, %exp3A, %reduce_sum3A [1] : vector<256x256xf32> to vector<256xf32>
      %broadcast_in_dim3A_116 = vector.shape_cast %reduce_sum3A_115 : vector<256xf32> to vector<256x1xf32>
      %add3A_117 = arith.addf %mul3A_114, %broadcast_in_dim3A_116 : vector<256x1xf32>
      %mul3A_118 = vector.broadcast %exp3A_113 : vector<256x1xf32> to vector<256x128xf32>
      %mul3A_119 = arith.mulf %while3A_83, %mul3A_118 : vector<256x128xf32>
      %convert_element_type3A = arith.truncf %exp3A : vector<256x256xf32> to vector<256x256xbf16>
      %dot_general3A_120 = arith.constant dense<0.000000e+00> : vector<256x128xf32>
      %dot_general3A_121 = tpu.matmul %convert_element_type3A, %get3A_95, %dot_general3A_120 {dimension_numbers = #tpu.dot_dimension_numbers<[1], [0], [0], [1], [0, 0, 1, 1], [], []>, transpose_lhs_hint = false} : vector<256x256xbf16>, vector<256x128xbf16>, vector<256x128xf32> -> vector<256x128xf32>
      %add3A_122 = arith.addf %mul3A_119, %dot_general3A_121 : vector<256x128xf32>
      scf.yield %max3A, %add3A_117, %add3A_122 : vector<256x1xf32>, vector<256x1xf32>, vector<256x128xf32>
    }
    %div3A_73 = vector.broadcast %while3A_72#1 : vector<256x1xf32> to vector<256x128xf32>
    %div3A_74 = arith.divf %while3A_72#2, %div3A_73 : vector<256x128xf32>
    %swap3A = arith.constant 0 : index
    %swap3A_75 = arith.constant 0 : index
    %swap3A_76 = arith.constant 0 : index
    %swap3A_77 = vector.load %arg8[%swap3A, %swap3A_75, %swap3A_76] : memref<1x256x128xf32, #tpu.memory_space<vmem>>, vector<1x256x128xf32>
    %swap3A_78 = vector.shape_cast %swap3A_77 : vector<1x256x128xf32> to vector<256x128xf32>
    %swap3A_79 = vector.shape_cast %div3A_74 : vector<256x128xf32> to vector<1x256x128xf32>
    tpu.vector_store %arg8[%swap3A, %swap3A_75, %swap3A_76], %swap3A_79 {strides = array<i32>} : memref<1x256x128xf32, #tpu.memory_space<vmem>>, vector<1x256x128xf32>,
    return
  }
  func.func @transform_0(%arg0: i32, %arg1: i32, %arg2: memref<16xi32, #tpu.memory_space<smem>>) -> (i32, i32) {
    %c0_i32 = arith.constant 0 : i32
    %c0_i32_0 = arith.constant 0 : i32
    return %arg1, %c0_i32 : i32, i32
  }
  func.func @transform_1(%arg0: i32, %arg1: i32, %arg2: memref<16xi32, #tpu.memory_space<smem>>) -> (i32, i32) {
    %c0_i32 = arith.constant 0 : i32
    %c0_i32_0 = arith.constant 0 : i32
    %c0_i32_1 = arith.constant 0 : i32
    return %c0_i32, %c0_i32_0 : i32, i32
  }
  func.func @transform_2(%arg0: i32, %arg1: i32, %arg2: memref<16xi32, #tpu.memory_space<smem>>) -> (i32, i32, i32) {
    %c0_i32 = arith.constant 0 : i32
    %c0_i32_0 = arith.constant 0 : i32
    return %arg0, %arg1, %c0_i32 : i32, i32, i32
  }
  func.func @transform_3(%arg0: i32, %arg1: i32, %arg2: memref<16xi32, #tpu.memory_space<smem>>) -> (i32, i32, i32) {
    %c0_i32 = arith.constant 0 : i32
    %c0_i32_0 = arith.constant 0 : i32
    %c0_i32_1 = arith.constant 0 : i32
    return %arg0, %c0_i32, %c0_i32_0 : i32, i32, i32
  }
  func.func @transform_4(%arg0: i32, %arg1: i32, %arg2: memref<16xi32, #tpu.memory_space<smem>>) -> (i32, i32, i32) {
    %c0_i32 = arith.constant 0 : i32
    %c0_i32_0 = arith.constant 0 : i32
    %c0_i32_1 = arith.constant 0 : i32
    return %arg0, %c0_i32, %c0_i32_0 : i32, i32, i32
  }
  func.func @transform_5(%arg0: i32, %arg1: i32, %arg2: memref<16xi32, #tpu.memory_space<smem>>) -> (i32, i32, i32) {
    %c0_i32 = arith.constant 0 : i32
    %c0_i32_0 = arith.constant 0 : i32
    return %arg0, %arg1, %c0_i32 : i32, i32, i32
  }
}

</mosaic_0001>

<sc_bundles>
// kernel: kernel.4.cloned.1.call-start
scs
__scs_entry_jumppad:
0x0: {  	(pc) =	sbr.rel $0x88, $3  }
0x1: {  	(tag) =	ssettag $0x0;
	lr =	simm.s32 $0x1  }
0x2: {  	[smem:$0x3F9D] =	sst lr;
	_ =	strace $0xD0000000  }
0x3: {  	_ = 	snop  }
0x4: {  	_ = 	snop  }
0x5: {  	_ = 	snop  }
0x6: {  	_ = 	snop  }
0x7: {  	_ = 	snop  }
__scs_overlays_trampoline_lowered:
0x8: {  	[smem:$0x3FAC] =	sst s0  }
0x9: {  	[smem:$0x3FAD] =	sst s1  }
0xa: {  	[smem:$0x3FAE] =	sst s2  }
0xb: {  	[smem:$0x3FAF] =	sst s3  }
0xc: {  	[smem:$0x3FB0] =	sst s4  }
0xd: {  	[smem:$0x3FB1] =	sst s5  }
0xe: {  	[smem:$0x3FB2] =	sst s6  }
0xf: {  	[smem:$0x3FB3] =	sst s7  }
0x10: {  	[smem:$0x3FB4] =	sst s8  }
0x11: {  	[smem:$0x3FB5] =	sst s9;
	s0 =	simm.s32 @!p0 $0x0  }
0x12: {  	s1 =	sld [smem:$0x3F9B];
	s0 =	simm.s32 @p0 $0x1  }
0x13: {  	[smem:$0x3FB6] =	sst s0;
	s0 =	simm.s32 @!p1 $0x0  }
0x14: {  	s2 =	sld [smem:$0x3F9A];
	s0 =	simm.s32 @p1 $0x1  }
0x15: {  	[smem:$0x3FB7] =	sst s0;
	s0 =	simm.s32 @!p2 $0x0  }
0x16: {  	s3 =	sld [smem:$0x3FDB];
	s0 =	simm.s32 @p2 $0x1  }
0x17: {  	s4 =	simm.s32 $0x1BF5;
	[smem:$0x3FB9] =	sst s0  }
0x18: {  	s0 =	sld [smem:$0x3F9C];
	_ =	swait.ge [sflag:s4], $0x0  }
0x19: {  	s7 =	sld [smem:$0x3F9D]  }
0x1a: {  	s8 =	sadd.s32 $0xFFFFE003, lr  }
0x1b: {  	s9 =	sadd.s32 $0xFFFFFEF7, lr;
	s5 =	simm.s32 $0xFFFFFFFF;
	p2 =	slt.u32 s8, $0xFFFFF086  }
0x1c: {  	p1 =	slt.u32 s9, $0xF7A;
	s5 =	simm.s32 @!p2 $0x0  }
0x1d: {  	s5 =	simm.s32 @p1 $0x1;
	p0 =	seq.s32 s7, s2  }
0x1e: {  	s7 =	smul.u32 @!p0 $0xF7A, s2;
	p2 =	seq.s32 @!p0 s5, $0x0  }
0x1f: {  	s9 =	smul.u32 $0xF7A, s1;
	s8 =	simm.s32 @!p0 $0x1BF5;
	p2 =	por !p2, p0  }
0x20: {  	[sflag:s8] =	ssyncset.s32 @!p0 $0xFFFFF086;
	s6 =	sadd.s32 @!p0 s3, s7;
	s7 =	simm.s32 @!p0 $0x108  }
0x21: {  	s3 =	sadd.s32 s3, s9;
	s6 =	sadd.s32 @!p0 $0x88, s6;
	s7 =	simm.s32 @p2 $0x1082  }
0x22: {  	[simem:s7], [sflag:s8] =	dma.local @!p0 [hbm:s6], $0xF7A  }
0x23: {  	s9 =	sor.u32 $0xD0000000, s2;
	s6 =	simm.s32 $0x108;
	_ =	swait.ge @!p0 [sflag:s8], $0x0  }
0x24: {  	s3 =	sadd.s32 $0x88, s3;
	s6 =	simm.s32 @!p1 $0x1082;
	[sflag:s4] =	ssyncset.s32 $0xFFFFF086  }
0x25: {  	[simem:s6], [sflag:s4] =	dma.local [hbm:s3], $0xF7A  }
0x26: {  	[smem:$0x3F9D] =	sst s1;
	(tag) =	ssettag s2;
	_ =	strace s9  }
0x27: {  	s1 =	sld [smem:$0x3FAD]  }
0x28: {  	s2 =	sld [smem:$0x3FAE]  }
0x29: {  	s4 =	sld [smem:$0x3FB0]  }
0x2a: {  	p0 =	seq.s32 s5, $0x0;
	s5 =	sld [smem:$0x3FB1]  }
0x2b: {  	s6 =	sld [smem:$0x3FB2]  }
0x2c: {  	s7 =	sld [smem:$0x3FB3]  }
0x2d: {  	s3 =	simm.s32 $0x108;
	s8 =	sld [smem:$0x3FB4]  }
0x2e: {  	s3 =	simm.s32 @!p0 $0x1082;
	s9 =	sld [smem:$0x3FB5]  }
0x2f: {  	lr =	sadd.s32 s0, s3;
	s0 =	sld [smem:$0x3FAC]  }
0x30: {  	s3 =	sld [smem:$0x3FAF]  }
0x31: {  	[smem:$0x3FB8] =	sst s10  }
0x32: {  	s10 =	sld [smem:$0x3FB6];
	_ =	sdelay $0x3  }
0x33: {  	p0 =	seq.s32 s10, $0x1;
	s10 =	sld [smem:$0x3FB8];
	_ =	sdelay $0x3  }
0x34: {  	[smem:$0x3FB8] =	sst s10  }
0x35: {  	s10 =	sld [smem:$0x3FB7];
	_ =	sdelay $0x3  }
0x36: {  	p1 =	seq.s32 s10, $0x1;
	s10 =	sld [smem:$0x3FB8];
	_ =	sdelay $0x3  }
0x37: {  	[smem:$0x3FB8] =	sst s10  }
0x38: {  	s10 =	sld [smem:$0x3FB9]  }
0x39: {  	_ = 	snop;
	(pc) =	sbr.ind lr, $3  }
0x3a: {  	_ = 	snop  }
0x3b: {  	_ = 	snop  }
0x3c: {  	p2 =	seq.s32 s10, $0x1;
	s10 =	sld [smem:$0x3FB8]  }
0x3d: {  	_ =	shalt  }
0x3e: {  	_ =	shalt  }
0x3f: {  	_ =	shalt  }
0x40: {  	_ =	shalt  }
0x41: {  	_ =	shalt  }
0x42: {  	_ =	shalt  }
0x43: {  	_ =	shalt  }
0x44: {  	_ =	shalt  }
0x45: {  	_ =	shalt  }
0x46: {  	_ =	shalt  }
0x47: {  	_ =	shalt  }
0x48: {  	_ =	shalt  }
0x49: {  	_ =	shalt  }
0x4a: {  	_ =	shalt  }
0x4b: {  	_ =	shalt  }
0x4c: {  	_ =	shalt  }
0x4d: {  	_ =	shalt  }
0x4e: {  	_ =	shalt  }
0x4f: {  	_ =	shalt  }
0x50: {  	_ =	shalt  }
0x51: {  	_ =	shalt  }
0x52: {  	_ =	shalt  }
0x53: {  	_ =	shalt  }
0x54: {  	_ =	shalt  }
0x55: {  	_ =	shalt  }
0x56: {  	_ =	shalt  }
0x57: {  	_ =	shalt  }
0x58: {  	_ =	shalt  }
0x59: {  	_ =	shalt  }
0x5a: {  	_ =	shalt  }
0x5b: {  	_ =	shalt  }
0x5c: {  	_ =	shalt  }
0x5d: {  	_ =	shalt  }
0x5e: {  	_ =	shalt  }
0x5f: {  	_ =	shalt  }
0x60: {  	_ =	shalt  }
0x61: {  	_ =	shalt  }
0x62: {  	_ =	shalt  }
0x63: {  	_ =	shalt  }
0x64: {  	_ =	shalt  }
0x65: {  	_ =	shalt  }
0x66: {  	_ =	shalt  }
0x67: {  	_ =	shalt  }
0x68: {  	_ =	shalt  }
0x69: {  	_ =	shalt  }
0x6a: {  	_ =	shalt  }
0x6b: {  	_ =	shalt  }
0x6c: {  	_ =	shalt  }
0x6d: {  	_ =	shalt  }
0x6e: {  	_ =	shalt  }
0x6f: {  	_ =	shalt  }
0x70: {  	_ =	shalt  }
0x71: {  	_ =	shalt  }
0x72: {  	_ =	shalt  }
0x73: {  	_ =	shalt  }
0x74: {  	_ =	shalt  }
0x75: {  	_ =	shalt  }
0x76: {  	_ =	shalt  }
0x77: {  	_ =	shalt  }
0x78: {  	_ =	shalt  }
0x79: {  	_ =	shalt  }
0x7a: {  	_ =	shalt  }
0x7b: {  	_ =	shalt  }
0x7c: {  	_ =	shalt  }
0x7d: {  	_ =	shalt  }
0x7e: {  	_ =	shalt  }
0x7f: {  	_ =	shalt  }
0x80: {  	_ =	shalt  }
0x81: {  	_ =	shalt  }
0x82: {  	_ =	shalt  }
0x83: {  	_ =	shalt  }
0x84: {  	_ =	shalt  }
0x85: {  	_ =	shalt  }
0x86: {  	_ =	shalt  }
0x87: {  	_ =	shalt  }
.Lfunc_end0:
.L_simem_size_0:
called_computation_lowered:
.L_overlay_start_0:
0x88: {  	s2 =	sld [smem:$0x3FD9]  }
0x89: {  	s3 =	sld [smem:$0x3FFE];
	_ =	sdelay $0x1  }
0x8a: {  	s1 =	srdreg.scid  }
0x8b: {  	s0 =	sand.u32 $0x1, s1  }
0x8c: {  	s18 =	sshll.u32 s0, $0xA;
	s2 =	sadd.s32 s3, s2  }
0x8d: {  	s2 =	sadd.s32 s2, s18  }
0x8e: {  	[smem:$0x3FC4] =	sst s2  }
0x8f: {  	_ = 	snop  }
0x90: {  	s2 =	sld [smem:$0x3FC6]  }
0x91: {  	s19 =	sld [smem:$0x3FD0];
	(tm) =	ssettm $0x1  }
0x92: {  	s4 =	sld [smem:$0x3FFB];
	_ =	sdelay $0x3  }
0x93: {  	_ =	strace s4  }
0x94: {  	s4 =	sld [smem:$0x3FFC];
	_ =	sdelay $0x3  }
0x95: {  	_ =	strace s4  }
0x96: {  	s4 =	sld [smem:$0x3FFD];
	_ =	sdelay $0x3  }
0x97: {  	_ =	strace s4  }
0x98: {  	_ =	strace $0x8FFFFFFF  }
0x99: {  	s20 =	sld [smem:$0x3FDB];
	_ =	sdelay $0x1  }
0x9a: {  	s5 =	simm.s32 $_scs_section_size  }
0x9b: {  	s6 =	simm.s32 $_size__tile_overlayer_lowered;
	s7 =	simm.s32 $_tile_overlayer_lowered  }
0x9c: {  	s23 =	simm.s32 $0x1BFF;
	s22 =	sshll.u32 s7, $0x1;
	s4 =	sadd.s32 s5, s20  }
0x9d: {  	s8 =	simm.s32 $0x0;
	s21 =	sshll.u32 s6, $0x1;
	s6 =	sadd.s32 s22, s4  }
0x9e: {  	[timem:s8], [sflag:s23] =	dma.local [hbm:s6], s21  }
0x9f: {  	_ =	swait.ge [sflag:s23], s21  }
0xa0: {  	s5 =	ssub.s32 $0x0, s21;
	[sflag:s23] =	ssyncset.done $0x0  }
0xa1: {  	[sflag:s23] =	ssyncadd.s32 s5;
	_ =	sdelay $0x1  }
0xa2: {  	s24 =	simm.s32 $0x1B8B  }
0xa3: {  	_ =	swait.ge [sflag:s24], $0x1  }
0xa4: {  	[sflag:s24] =	ssyncset.done $0x0  }
0xa5: {  	s25 =	simm.s32 $0x1B8E;
	[sflag:s24] =	ssyncadd.s32 $0xFFFFFFFF  }
0xa6: {  	s26 =	simm.s32 $execute0_lowered;
	[smem:$0x3FD2] =	sst s25  }
0xa7: {  	s5 =	sshll.u32 s26, $0x1;
	_ =	strace $0x80000046;
	[dreg:$0x1] =	wrdreg $0xFFFFFFFF  }
0xa8: {  	s28 =	simm.s32 $_size_execute0_lowered;
	s4 =	sadd.s32 s4, s5;
	[dreg:$0x0] =	wrdreg $0x0  }
0xa9: {  	s5 =	sshll.u32 s28, $0x1;
	[dreg:$0x2] =	wrdreg s4  }
0xaa: {  	[dreg:$0x3] =	wrdreg s5  }
0xab: {  	[dreg:$0x4] =	wrdreg $0xC0  }
0xac: {  	_ =	task [dreg:s8], $0x5FFFF  }
0xad: {  	[dreg:$0x1] =	wrdreg $0xFFFFFFFF  }
0xae: {  	[dreg:$0x0] =	wrdreg $0x60  }
0xaf: {  	[dreg:$0x2] =	wrdreg s2  }
0xb0: {  	[dreg:$0x3] =	wrdreg s19  }
0xb1: {  	[dreg:$0x4] =	wrdreg $0x9  }
0xb2: {  	_ =	task.clear_ibuf [dreg:s8], $0x5FFFF;
	_ =	strace $0x90000046  }
0xb3: {  	s29 =	simm.s32 $0x9;
	_ =	strace $0x80000048  }
0xb4: {  	_ =	swait.ge [sflag:s29], $0x1  }
0xb5: {  	[sflag:s29] =	ssyncadd.s32 $0xFFFFFFFF  }
0xb6: {  	_ =	strace $0x90000048  }
0xb7: {  	_ =	sfence  }
0xb8: {  	s30 =	sld [smem:$0x0];
	_ =	sdelay $0x2  }
0xb9: {  	s31 =	sshll.u32 s1, $0xD;
	s1 =	sshrl.u32 s1, $0x2  }
0xba: {  	s3 =	sand.u32 $0x4000, s31;
	s1 =	sadd.s32 s1, s30  }
0xbb: {  	s0 =	sor.u32 s3, s0;
	s1 =	sshll.u32 s1, $0x11  }
0xbc: {  	s0 =	sor.u32 s1, s0  }
0xbd: {  	s0 =	sadd.s32 $0x8F2B, s0  }
0xbe: {  	[sflag:s0] =	ssyncadd.remote.s32 $0x1  }
0xbf: {  	_ =	sfence.sel $0xFFFF  }
0xc0: {  	[dreg:$0x0] =	wrdreg $0xFFFFFFFF;
	(pc) =	sbr.abs _section_cstart, $3  }
0xc1: {  	[dreg:$0x1] =	wrdreg $0xFFFFFFFF  }
0xc2: {  	_ =	task.clear_ibuf [dreg:s8], $0x2FFFF;
	_ =	strace $0x9FFFFFFF  }
0xc3: {  	(tm) =	ssettm $0x7FFFFFFF  }
tec
execute0_lowered:
.L_overlay_start_1:
0x0: {  	(tag) =	ssettag $0x1  }
0x1: {  	s1 =	stileid.u32  }
0x2: {  	p0 =	sgt.u32 s1, $0x3  }
.Ltmp0:
0x3: {  	_ = 	snop;
	(pc) =	sbr.rel @p0 .LBB2_5-.Ltmp0, $4  }
0x4: {  	s2 =	rddreg [dreg:$0x0]  }
0x5: {  	s5 =	rddreg [dreg:$0x1];
	s3 =	simm.s32 $0x0  }
0x6: {  	[smem:$0x7FF] =	sst s3  }
0x7: {  	s0 =	rddreg [dreg:$0x2];
	_ =	strace $0x80000047  }
0x8: {  	v0 =	vimm.s32 $0x76543210;
	v1 =	vimm.s32 $0xFEDCBA98  }
0x9: {  	v2 =	vimm.s32 $0x3210FEDC;
	v3 =	vimm.s32 $0xBA987654;
	v4 =	vimm.s32 $0x10FEDCBA  }
0xa: {  	v5 =	vimm.s32 $0x98765432;
	v6 =	vimm.s32 $0xFEDCBA9;
	v7 =	vimm.s32 $0x87654321  }
0xb: {  	v0 =	vunpack.c.l.s4.s8 v0;
	v1 =	vunpack.c.l.s4.s8 v1;
	v2 =	vunpack.c.l.s4.s8 v2  }
0xc: {  	v3 =	vunpack.c.l.s4.s8 v3;
	v4 =	vunpack.c.l.s4.s8 v4;
	v5 =	vunpack.c.l.s4.s8 v5  }
0xd: {  	v6 =	vunpack.c.l.s4.s8 v6;
	v7 =	vunpack.c.l.s4.s8 v7;
	v2 =	vunpack.c.0.s8.s32 v2  }
0xe: {  	s4 =	srdreg.scid;
	v3 =	vunpack.c.0.s8.s32 v3;
	v4 =	vunpack.c.0.s8.s32 v4;
	v5 =	vunpack.c.0.s8.s32 v5  }
0xf: {  	s6 =	sshll.u32 s1, $0x1;
	s4 =	sand.u32 $0x1, s4;
	v1 =	vunpack.c.0.s8.s32 v1;
	v6 =	vunpack.c.0.s8.s32 v6;
	v7 =	vunpack.c.0.s8.s32 v7  }
0x10: {  	vm0 =	vmmov $0x1;
	s7 =	ssub.s32 $0x2, s4;
	s4 =	sor.u32 s4, s6;
	v3 =	vcombine.low v3, v2;
	v2 =	vunpack.c.0.s8.s32 v0  }
0x11: {  	s9 =	simm.s32 $0x0;
	s31 =	sshrl.u32 s7, $0x1;
	s8 =	sshll.u32 s4, $0x4;
	v4 =	vcombine.low v5, v4;
	v5 =	vand.u32 $0xF, v1;
	v6 =	vcombine.low v7, v6  }
0x12: {  	s4 =	sshll.u32 s4, $0x8;
	s6 =	ssub.s32 s7, s31;
	s5 =	sadd.s32 s5, s8;
	v0 =	vimm.s32 $0xF;
	v1 =	vimm.s32 $0x0;
	v2 =	vcombine.low v5, v2  }
0x13: {  	s7 =	simm.s32 $0x1;
	s8 =	simm.s32 $0x800;
	s6 =	smax.u32 s6, $0x1;
	v3 =	vand.u32 $0xF, v3;
	v4 =	vand.u32 $0xF, v4;
	v5 =	vand.u32 $0xF, v6  }
.LBB2_2:
0x14: {  	s10 =	simm.s32 $0x0  }
0x15: {  	[tilespmem:s10], [sflag:$0x1] =	stream.linear.gather [hbm4b:s2+s10], $0x800, $0x38;
	[tilespmem:$0x880] =	vst v63  }
0x16: {  	_ =	swait.ge [sflag:s7], $0x800  }
0x17: {  	[sflag:s7] =	ssyncset.done $0x0  }
0x18: {  	[sflag:s7] =	ssyncadd.s32 $0xFFFFF800  }
0x19: {  	v6 =	vld [tilespmem:s4+$0x0]  }
0x1a: {  	v7 =	vld [tilespmem:s4+$0xF0];
	_ =	sdelay $0x2  }
0x1b: {  	s11 =	simm.s32 $0x0  }
0x1c: {  	v8 =	vimm.s32 $0x0;
	v10 =	vld [tilespmem:s11+$0x0]  }
0x1d: {  	v9 =	vimm.s32 $0x0;
	s10 =	simm.s32 $0x40;
	v6 =	vperm.xlane v6, v1;
	v7 =	vperm.xlane v7, v0  }
.LBB2_3:
0x1e: {  	p0 =	sne.s32 s10, $0x1FC0  }
.Ltmp1:
0x1f: {  	_ = 	snop;
	(pc) =	sbr.rel @p0 .LBB2_3-.Ltmp1, $4  }
0x20: {  	_ = 	snop  }
0x21: {  	s11 =	sshra.s32 s10, $0x2;
	s10 =	sadd.s32 $0x40, s10;
	vm1 =	vlt.s32 v10, v6;
	vm2 =	vle.s32 v10, v7  }
0x22: {  	v10 =	vld [tilespmem:s11+$0x0];
	v11 =	vsel vm1, $0x1, v1;
	v12 =	vsel vm2, $0x1, v1  }
0x23: {  	v8 =	vadd.s32 v11, v8;
	v9 =	vadd.s32 v12, v9  }
0x24: {  	_ =	sdelay $0x2  }
0x25: {  	vm1 =	vlt.s32 v10, v6;
	vm2 =	vle.s32 v10, v7  }
0x26: {  	v6 =	vsel vm1, $0x1, v1;
	v7 =	vsel vm2, $0x1, v1  }
0x27: {  	v6 =	vadd.s32 v6, v8;
	v7 =	vadd.s32 v7, v9  }
0x28: {  	v8 =	vperm.xlane v6, v2;
	v9 =	vperm.xlane v7, v2;
	_ =	sdelay $0x1  }
0x29: {  	v6 =	vadd.s32 v6, v8;
	v7 =	vadd.s32 v7, v9  }
0x2a: {  	v8 =	vperm.xlane v6, v3;
	v9 =	vperm.xlane v7, v3;
	_ =	sdelay $0x1  }
0x2b: {  	v6 =	vadd.s32 v8, v6;
	v7 =	vadd.s32 v9, v7  }
0x2c: {  	v8 =	vperm.xlane v6, v4;
	v9 =	vperm.xlane v7, v4;
	_ =	sdelay $0x1  }
0x2d: {  	v6 =	vadd.s32 v8, v6;
	v7 =	vadd.s32 v9, v7  }
0x2e: {  	v8 =	vperm.xlane v6, v5;
	v9 =	vperm.xlane v7, v5;
	_ =	sdelay $0x1  }
0x2f: {  	s9 =	sadd.s32 $0x1, s9;
	v6 =	vadd.s32 v8, v6;
	v7 =	vadd.s32 v9, v7  }
0x30: {  	p0 =	sne.s32 s9, s6;
	v6 =	vsel vm0, v6, v7  }
.Ltmp2:
0x31: {  	[tilespmem:$0x800] =	vst v6;
	(pc) =	sbr.rel @p0 .LBB2_2-.Ltmp2, $4  }
0x32: {  	[hbm4b:s5+s3] =	stream.linear.scatter [tilespmem:s8], [sflag:$0x1], $0x80, $0x38;
	[tilespmem:$0x880] =	vst v63  }
0x33: {  	_ =	swait.ge [sflag:s7], $0x80  }
0x34: {  	[sflag:s7] =	ssyncset.done $0x0  }
0x35: {  	[sflag:s7] =	ssyncadd.s32 $0xFFFFFF80  }
.LBB2_5:
0x36: {  	_ =	sfence.sel $0x180000  }
0x37: {  	[bflag:$0x0] =	sbarrier.arrive $0xFFFF  }
0x38: {  	p0 =	sne.s32 s1, $0x0;
	_ =	strace $0x90000047  }
0x39: {  	s0 =	sadd.s32 @!p0 $0x100000, s0;
	[bflag:$0x2] =	sbarrier.arrive $0xFFFF  }
0x3a: {  	[sflag:s0] =	ssyncadd.tile.s32 @!p0 $0x1;
	_ =	shalt  }
.Lfunc_end2:
_tile_overlayer_lowered:
.L_overlay_start_2:
0x3b: {  	(tag) =	ssettag $0x2  }
0x3c: {  	s0 =	rddreg [dreg:$0x0];
	s2 =	stileid.u32  }
0x3d: {  	s1 =	rddreg [dreg:$0x1];
	p0 =	sne.s32 s2, $0x0  }
0x3e: {  	s3 =	rddreg [dreg:$0x2];
	[bflag:$0x3] =	sbarrier.arrive $0xFFFF;
	s2 =	simm.s32 @!p0 $0x1C01  }
0x3f: {  	[timem:s3], [sflag:s2] =	dma.local @!p0 [hbm:s0], s1  }
0x40: {  	s0 =	simm.s32 @!p0 $0x1  }
0x41: {  	_ =	swait.ge @!p0 [sflag:s0], s1  }
0x42: {  	s1 =	ssub.s32 @!p0 $0x0, s1;
	[sflag:s0] =	ssyncset.done @!p0 $0x0  }
0x43: {  	[sflag:s0] =	ssyncadd.s32 @!p0 s1  }
0x44: {  	[bflag:$0x3] =	sbarrier.arrive $0xFFFF  }
0x45: {  	_ =	shalt  }

</sc_bundles>
